<compile_context>
chip_gen: v7x
topology: tpu7x:2x2x1
jax: 0.10.2.dev20260603
libtpu: 0.0.44.dev20260713+nightly
codegen_flags: <defaults>
</compile_context>

<pallas_src>
import functools

import jax
import jax.numpy as jnp
from jax import lax
from jax.experimental import pallas as pl
from jax.experimental.pallas import tpu as pltpu
from jax.experimental.pallas import tpu_sc as plsc

LANES = 16
NUM_TILES = 16
NUM_IDX = 16384
PER_TILE = NUM_IDX // NUM_TILES
VECS_PER_TILE = PER_TILE // LANES

_mesh = plsc.VectorSubcoreMesh(
    core_axis_name="c", subcore_axis_name="s", num_cores=1, num_subcores=16
)

_GATHER_DNUMS = lax.GatherDimensionNumbers(
    offset_dims=(), collapsed_slice_dims=(0,), start_index_map=(0,))


def _perm(v, idx):
    return lax.gather(v, idx[:, None], _GATHER_DNUMS, slice_sizes=(1,),
                      mode=lax.GatherScatterMode.PROMISE_IN_BOUNDS)


def _lane_allsum(v):
    io = lax.iota(jnp.int32, LANES)
    for sh in (8, 4, 2, 1):
        v = v + _perm(v, lax.bitwise_and(io + sh, LANES - 1))
    return v


def _body(d_hbm, idx_hbm, em_hbm, wb_hbm, wt_hbm, out_hbm,
          part_hbm, idx_v, prm_v, stage_v, all_v, out_v, psem):
    sid = lax.axis_index("s")
    base = sid * PER_TILE

    hs = [pltpu.async_copy(d_hbm, prm_v.at[0, pl.ds(0, 2)], psem),
          pltpu.async_copy(em_hbm, prm_v.at[1, pl.ds(0, 6)], psem),
          pltpu.async_copy(wb_hbm, prm_v.at[2, pl.ds(0, 4)], psem),
          pltpu.async_copy(wt_hbm, prm_v.at[3, pl.ds(0, 4)], psem)]

    pltpu.sync_copy(idx_hbm.at[pl.ds(base, PER_TILE)], idx_v)

    UNROLL = 4

    def step(i, carry):
        s1, s2 = carry
        for u in range(UNROLL):
            v = idx_v[pl.ds((i * UNROLL + u) * LANES, LANES)]
            s1 = s1 + v
            s2 = s2 + v * v
        return s1, s2

    zero = jnp.zeros((LANES,), jnp.int32)
    s1, s2 = lax.fori_loop(0, VECS_PER_TILE // UNROLL, step, (zero, zero))

    for h in hs:
        h.wait()

    io = lax.iota(jnp.int32, LANES)
    zerof = jnp.zeros((LANES,), jnp.float32)
    m15 = LANES - 1
    emv = prm_v[1, :]
    wtv = prm_v[3, :]
    q = jnp.where(
        io < 6,
        _perm(emv, lax.bitwise_and(io, m15)) *
        _perm(wtv, 2 + lax.bitwise_and(io, 1)),
        zerof)
    sc2n = 2.0 / NUM_IDX
    mbeta = jnp.where(io < 2, -1.5 * sc2n,
                      jnp.where(io < 4, 2.0 * sc2n,
                                jnp.where(io < 6, -0.5 * sc2n, 0.0)))
    mgamma = jnp.where(io < 2, 0.5 * sc2n,
                       jnp.where(io < 4, -1.0 * sc2n,
                                 jnp.where(io < 6, 0.5 * sc2n, 0.0)))
    beta = _lane_allsum(q * mbeta)
    gamma = _lane_allsum(q * mgamma)
    stage_v[0, :] = (beta * s1.astype(jnp.float32) +
                     gamma * s2.astype(jnp.float32))
    pltpu.sync_copy(stage_v, part_hbm.at[pl.ds(sid, 1)])
    plsc.subcore_barrier()

    @pl.when(sid == 0)
    def _finish():
        pltpu.sync_copy(part_hbm, all_v)
        acc = all_v[0, :]
        for t in range(1, NUM_TILES):
            acc = acc + all_v[t, :]
        dv = prm_v[0, :]
        wbv = prm_v[2, :]
        lt4 = io < 4
        dense_terms = jnp.where(
            lt4,
            _perm(dv, lax.bitwise_and(io, 1)) * wbv *
            _perm(wtv, lax.bitwise_and(lax.shift_right_logical(io, 1), 1)),
            zerof)
        const_terms = jnp.where(io < 2, 2.0 * q, zerof)
        out_v[...] = _lane_allsum(acc + dense_terms + const_terms)
        pltpu.sync_copy(out_v.at[pl.ds(0, 1)], out_hbm)


_sc_call = functools.partial(
    pl.kernel,
    out_type=jax.ShapeDtypeStruct((1,), jnp.float32),
    mesh=_mesh,
    scratch_types=[
        pltpu.HBM((NUM_TILES, LANES), jnp.float32),
        pltpu.VMEM((PER_TILE,), jnp.int32),
        pltpu.VMEM((4, LANES), jnp.float32),
        pltpu.VMEM((1, LANES), jnp.float32),
        pltpu.VMEM((NUM_TILES, LANES), jnp.float32),
        pltpu.VMEM((LANES,), jnp.float32),
        pltpu.SemaphoreType.DMA,
    ],
)(_body)


def kernel(dense_features, sparse_features, em_weight, W_bot, W_top):
    out1 = _sc_call(
        dense_features.reshape(-1),
        sparse_features,
        em_weight.reshape(-1),
        W_bot.reshape(-1),
        W_top.reshape(-1),
    )
    return out1.reshape(1, 1)

# --- scband reference (transcript-rebuilt; emitter-appended) ---
"""Pipeline reference for scband-dlrm-net-12953621365041 (READ-ONLY COPY).

The authoritative reference and input builder live on the scoring server;
editing this copy changes nothing except your own understanding.
"""

import jax, jax.numpy as jnp
import numpy as np


def setup_inputs(seed: int = 0) -> dict:
    key = jax.random.key(seed)
    k1, k2 = jax.random.split(key)
    dense_features = jax.random.normal(k1, (1, 2), dtype=jnp.float32)
    sparse_features = jax.random.randint(k2, (16384,), 0, 3, dtype=jnp.int32)
    # Embedding table per get_em(dim=2, n_rows=3): ones, row 0 doubled
    em_weight = jnp.ones((3, 2), dtype=jnp.float32).at[0, :].multiply(2.0)
    # bot_l = Linear(2, 2, bias=False) with weight all ones
    W_bot = jnp.ones((2, 2), dtype=jnp.float32)
    # top_l = Linear(4, 1, bias=False) with weight all ones
    W_top = jnp.ones((1, 4), dtype=jnp.float32)
    return {
        "dense_features": dense_features,
        "sparse_features": sparse_features,
        "em_weight": em_weight,
        "W_bot": W_bot,
        "W_top": W_top,
    }


def reference(dense_features, sparse_features, em_weight, W_bot, W_top):
    # nn.EmbeddingBag default mode='mean'; offsets=[0] -> one bag over all indices
    gathered = jnp.take(em_weight, sparse_features, axis=0)  # [L, 2]
    em_vecs = jnp.mean(gathered, axis=0, keepdims=True)      # [1, 2]
    # All2allMock_sync.forward: input * 2
    y = em_vecs * 2.0
    # bot MLP on dense features
    x = dense_features @ W_bot.T                              # [1, 2]
    z = jnp.concatenate((x, y), axis=1)                       # [1, 4]
    return z @ W_top.T                                        # [1, 1]

if __name__ == "__main__":
    import jax
    _d = setup_inputs()
    print(jax.jit(kernel)(*tuple(_d.values())))

</pallas_src>

<mosaic_0001>
#map = affine_map<(d0, d1) -> (0)>
module attributes {stable_mosaic.version = 14 : i64} {
  func.func @_body(%arg0: i32, %arg1: i32, %arg2: memref<2xf32, #tpu.memory_space<hbm>>, %arg3: memref<16384xi32, #tpu.memory_space<hbm>>, %arg4: memref<6xf32, #tpu.memory_space<hbm>>, %arg5: memref<4xf32, #tpu.memory_space<hbm>>, %arg6: memref<4xf32, #tpu.memory_space<hbm>>, %arg7: memref<1xf32, #tpu.memory_space<hbm>>, %arg8: memref<16x16xf32, #tpu.memory_space<hbm>>, %arg9: memref<1024xi32, #tpu.memory_space<vmem>>, %arg10: memref<4x16xf32, #tpu.memory_space<vmem>>, %arg11: memref<1x16xf32, #tpu.memory_space<vmem>>, %arg12: memref<16x16xf32, #tpu.memory_space<vmem>>, %arg13: memref<16xf32, #tpu.memory_space<vmem>>, %arg14: memref<!tpu.dma_semaphore, #tpu.memory_space<semaphore_mem>>) attributes {dimension_semantics = [#tpu.dimension_semantics<core_parallel>, #tpu.dimension_semantics<subcore_parallel>], iteration_bounds = array<i64: 1, 16>, scalar_prefetch = 0 : i64, scratch_operands = 7 : i64, tpu.core_type = #tpu.core_type<sc_vector_subcore>, window_params = [{transform_indices = #map}, {transform_indices = #map}, {transform_indices = #map}, {transform_indices = #map}, {transform_indices = #map}, {transform_indices = #map}]} {
    %mul3A = arith.constant 1024 : i32
    %mul3A_0 = arith.muli %arg1, %mul3A : i32
    %dma_start3A = arith.constant 0 : i32
    %dma_start3A_1 = arith.constant 0 : i32
    %dma_start3A_2 = tpu.memref_slice %arg10[%dma_start3A, %dma_start3A_1] : memref<4x16xf32, #tpu.memory_space<vmem>> -> memref<1x2xf32, #tpu.memory_space<vmem>>
    %dma_start3A_3 = tpu.memref_squeeze %dma_start3A_2 : memref<1x2xf32, #tpu.memory_space<vmem>> -> memref<2xf32, #tpu.memory_space<vmem>>
    %dma_start3A_4 = arith.constant 0 : i32
    %dma_start3A_5 = tpu.memref_slice %arg10[%dma_start3A, %dma_start3A_4] : memref<4x16xf32, #tpu.memory_space<vmem>> -> memref<1x2xf32, #tpu.memory_space<vmem>>
    %dma_start3A_6 = tpu.memref_squeeze %dma_start3A_5 : memref<1x2xf32, #tpu.memory_space<vmem>> -> memref<2xf32, #tpu.memory_space<vmem>>
    tpu.enqueue_dma source(%arg2 : memref<2xf32, #tpu.memory_space<hbm>>) target(%dma_start3A_6 : memref<2xf32, #tpu.memory_space<vmem>>) target_semaphore(%arg14 : memref<!tpu.dma_semaphore, #tpu.memory_space<semaphore_mem>>)
    %dma_start3A_7 = arith.constant 1 : i32
    %dma_start3A_8 = arith.constant 0 : i32
    %dma_start3A_9 = tpu.memref_slice %arg10[%dma_start3A_7, %dma_start3A_8] : memref<4x16xf32, #tpu.memory_space<vmem>> -> memref<1x6xf32, #tpu.memory_space<vmem>>
    %dma_start3A_10 = tpu.memref_squeeze %dma_start3A_9 : memref<1x6xf32, #tpu.memory_space<vmem>> -> memref<6xf32, #tpu.memory_space<vmem>>
    %dma_start3A_11 = arith.constant 0 : i32
    %dma_start3A_12 = tpu.memref_slice %arg10[%dma_start3A_7, %dma_start3A_11] : memref<4x16xf32, #tpu.memory_space<vmem>> -> memref<1x6xf32, #tpu.memory_space<vmem>>
    %dma_start3A_13 = tpu.memref_squeeze %dma_start3A_12 : memref<1x6xf32, #tpu.memory_space<vmem>> -> memref<6xf32, #tpu.memory_space<vmem>>
    tpu.enqueue_dma source(%arg4 : memref<6xf32, #tpu.memory_space<hbm>>) target(%dma_start3A_13 : memref<6xf32, #tpu.memory_space<vmem>>) target_semaphore(%arg14 : memref<!tpu.dma_semaphore, #tpu.memory_space<semaphore_mem>>)
    %dma_start3A_14 = arith.constant 2 : i32
    %dma_start3A_15 = arith.constant 0 : i32
    %dma_start3A_16 = tpu.memref_slice %arg10[%dma_start3A_14, %dma_start3A_15] : memref<4x16xf32, #tpu.memory_space<vmem>> -> memref<1x4xf32, #tpu.memory_space<vmem>>
    %dma_start3A_17 = tpu.memref_squeeze %dma_start3A_16 : memref<1x4xf32, #tpu.memory_space<vmem>> -> memref<4xf32, #tpu.memory_space<vmem>>
    %dma_start3A_18 = arith.constant 0 : i32
    %dma_start3A_19 = tpu.memref_slice %arg10[%dma_start3A_14, %dma_start3A_18] : memref<4x16xf32, #tpu.memory_space<vmem>> -> memref<1x4xf32, #tpu.memory_space<vmem>>
    %dma_start3A_20 = tpu.memref_squeeze %dma_start3A_19 : memref<1x4xf32, #tpu.memory_space<vmem>> -> memref<4xf32, #tpu.memory_space<vmem>>
    tpu.enqueue_dma source(%arg5 : memref<4xf32, #tpu.memory_space<hbm>>) target(%dma_start3A_20 : memref<4xf32, #tpu.memory_space<vmem>>) target_semaphore(%arg14 : memref<!tpu.dma_semaphore, #tpu.memory_space<semaphore_mem>>)
    %dma_start3A_21 = arith.constant 3 : i32
    %dma_start3A_22 = arith.constant 0 : i32
    %dma_start3A_23 = tpu.memref_slice %arg10[%dma_start3A_21, %dma_start3A_22] : memref<4x16xf32, #tpu.memory_space<vmem>> -> memref<1x4xf32, #tpu.memory_space<vmem>>
    %dma_start3A_24 = tpu.memref_squeeze %dma_start3A_23 : memref<1x4xf32, #tpu.memory_space<vmem>> -> memref<4xf32, #tpu.memory_space<vmem>>
    %dma_start3A_25 = arith.constant 0 : i32
    %dma_start3A_26 = tpu.memref_slice %arg10[%dma_start3A_21, %dma_start3A_25] : memref<4x16xf32, #tpu.memory_space<vmem>> -> memref<1x4xf32, #tpu.memory_space<vmem>>
    %dma_start3A_27 = tpu.memref_squeeze %dma_start3A_26 : memref<1x4xf32, #tpu.memory_space<vmem>> -> memref<4xf32, #tpu.memory_space<vmem>>
    tpu.enqueue_dma source(%arg6 : memref<4xf32, #tpu.memory_space<hbm>>) target(%dma_start3A_27 : memref<4xf32, #tpu.memory_space<vmem>>) target_semaphore(%arg14 : memref<!tpu.dma_semaphore, #tpu.memory_space<semaphore_mem>>)
    "tpu.region"() ({
      %run_scoped3A = tpu.sem_alloc : memref<!tpu.dma_semaphore, #tpu.memory_space<semaphore_mem>>
      %dma_start3A_222 = tpu.memref_slice %arg3[%mul3A_0] : memref<16384xi32, #tpu.memory_space<hbm>> -> memref<1024xi32, #tpu.memory_space<hbm>>
      %dma_start3A_223 = tpu.memref_slice %arg3[%mul3A_0] : memref<16384xi32, #tpu.memory_space<hbm>> -> memref<1024xi32, #tpu.memory_space<hbm>>
      tpu.enqueue_dma source(%dma_start3A_223 : memref<1024xi32, #tpu.memory_space<hbm>>) target(%arg9 : memref<1024xi32, #tpu.memory_space<vmem>>) target_semaphore(%run_scoped3A : memref<!tpu.dma_semaphore, #tpu.memory_space<semaphore_mem>>)
      %dma_wait3A_224 = tpu.memref_slice %arg3[%mul3A_0] : memref<16384xi32, #tpu.memory_space<hbm>> -> memref<1024xi32, #tpu.memory_space<hbm>>
      %dma_wait3A_225 = tpu.memref_slice %arg3[%mul3A_0] : memref<16384xi32, #tpu.memory_space<hbm>> -> memref<1024xi32, #tpu.memory_space<hbm>>
      tpu.wait_dma2 semaphore(%run_scoped3A : memref<!tpu.dma_semaphore, #tpu.memory_space<semaphore_mem>>) src(%dma_wait3A_225 : memref<1024xi32, #tpu.memory_space<hbm>>) dst(%arg9 : memref<1024xi32, #tpu.memory_space<vmem>>)
      tpu.yield
    }) : () -> ()
    %broadcast_in_dim3A = arith.constant 0 : i32
    %broadcast_in_dim3A_28 = vector.broadcast %broadcast_in_dim3A : i32 to vector<16xi32>
    %scan3A = arith.constant 0 : i32
    %scan3A_29 = arith.constant 16 : i32
    %scan3A_30 = arith.addi %scan3A, %scan3A_29 : i32
    %scan3A_31 = arith.constant 1 : i32
    %scan3A_32:2 = scf.for %scan3A_222 = %scan3A to %scan3A_30 step %scan3A_31 iter_args(%scan3A_223 = %broadcast_in_dim3A_28, %scan3A_224 = %broadcast_in_dim3A_28) -> (vector<16xi32>, vector<16xi32>)  : i32 {
      %mul3A_225 = arith.constant 4 : i32
      %mul3A_226 = arith.muli %scan3A_222, %mul3A_225 : i32
      %add3A_227 = arith.constant 0 : i32
      %add3A_228 = arith.addi %mul3A_226, %add3A_227 : i32
      %mul3A_229 = arith.constant 16 : i32
      %mul3A_230 = arith.muli %add3A_228, %mul3A_229 : i32
      %get3A_231 = arith.index_cast %mul3A_230 : i32 to index
      %get3A_232 = tpu.vector_load %arg9[%get3A_231] {strides = array<i32>} : memref<1024xi32, #tpu.memory_space<vmem>>, vector<16xi32>,
      %get3A_233 = vector.shape_cast %get3A_232 : vector<16xi32> to vector<16xi32>
      %add3A_234 = arith.addi %scan3A_223, %get3A_233 : vector<16xi32>
      %mul3A_235 = arith.muli %get3A_233, %get3A_233 : vector<16xi32>
      %add3A_236 = arith.addi %scan3A_224, %mul3A_235 : vector<16xi32>
      %mul3A_237 = arith.constant 4 : i32
      %mul3A_238 = arith.muli %scan3A_222, %mul3A_237 : i32
      %add3A_239 = arith.constant 1 : i32
      %add3A_240 = arith.addi %mul3A_238, %add3A_239 : i32
      %mul3A_241 = arith.constant 16 : i32
      %mul3A_242 = arith.muli %add3A_240, %mul3A_241 : i32
      %get3A_243 = arith.index_cast %mul3A_242 : i32 to index
      %get3A_244 = tpu.vector_load %arg9[%get3A_243] {strides = array<i32>} : memref<1024xi32, #tpu.memory_space<vmem>>, vector<16xi32>,
      %get3A_245 = vector.shape_cast %get3A_244 : vector<16xi32> to vector<16xi32>
      %add3A_246 = arith.addi %add3A_234, %get3A_245 : vector<16xi32>
      %mul3A_247 = arith.muli %get3A_245, %get3A_245 : vector<16xi32>
      %add3A_248 = arith.addi %add3A_236, %mul3A_247 : vector<16xi32>
      %mul3A_249 = arith.constant 4 : i32
      %mul3A_250 = arith.muli %scan3A_222, %mul3A_249 : i32
      %add3A_251 = arith.constant 2 : i32
      %add3A_252 = arith.addi %mul3A_250, %add3A_251 : i32
      %mul3A_253 = arith.constant 16 : i32
      %mul3A_254 = arith.muli %add3A_252, %mul3A_253 : i32
      %get3A_255 = arith.index_cast %mul3A_254 : i32 to index
      %get3A_256 = tpu.vector_load %arg9[%get3A_255] {strides = array<i32>} : memref<1024xi32, #tpu.memory_space<vmem>>, vector<16xi32>,
      %get3A_257 = vector.shape_cast %get3A_256 : vector<16xi32> to vector<16xi32>
      %add3A_258 = arith.addi %add3A_246, %get3A_257 : vector<16xi32>
      %mul3A_259 = arith.muli %get3A_257, %get3A_257 : vector<16xi32>
      %add3A_260 = arith.addi %add3A_248, %mul3A_259 : vector<16xi32>
      %mul3A_261 = arith.constant 4 : i32
      %mul3A_262 = arith.muli %scan3A_222, %mul3A_261 : i32
      %add3A_263 = arith.constant 3 : i32
      %add3A_264 = arith.addi %mul3A_262, %add3A_263 : i32
      %mul3A_265 = arith.constant 16 : i32
      %mul3A_266 = arith.muli %add3A_264, %mul3A_265 : i32
      %get3A_267 = arith.index_cast %mul3A_266 : i32 to index
      %get3A_268 = tpu.vector_load %arg9[%get3A_267] {strides = array<i32>} : memref<1024xi32, #tpu.memory_space<vmem>>, vector<16xi32>,
      %get3A_269 = vector.shape_cast %get3A_268 : vector<16xi32> to vector<16xi32>
      %add3A_270 = arith.addi %add3A_258, %get3A_269 : vector<16xi32>
      %mul3A_271 = arith.muli %get3A_269, %get3A_269 : vector<16xi32>
      %add3A_272 = arith.addi %add3A_260, %mul3A_271 : vector<16xi32>
      scf.yield %add3A_270, %add3A_272 : vector<16xi32>, vector<16xi32>
    }
    %scan3A_33 = arith.constant 16 : i32
    %dma_wait3A = arith.constant 0 : i32
    %dma_wait3A_34 = arith.constant 0 : i32
    %dma_wait3A_35 = tpu.memref_slice %arg10[%dma_wait3A, %dma_wait3A_34] : memref<4x16xf32, #tpu.memory_space<vmem>> -> memref<1x2xf32, #tpu.memory_space<vmem>>
    %dma_wait3A_36 = tpu.memref_squeeze %dma_wait3A_35 : memref<1x2xf32, #tpu.memory_space<vmem>> -> memref<2xf32, #tpu.memory_space<vmem>>
    %dma_wait3A_37 = arith.constant 0 : i32
    %dma_wait3A_38 = tpu.memref_slice %arg10[%dma_wait3A, %dma_wait3A_37] : memref<4x16xf32, #tpu.memory_space<vmem>> -> memref<1x2xf32, #tpu.memory_space<vmem>>
    %dma_wait3A_39 = tpu.memref_squeeze %dma_wait3A_38 : memref<1x2xf32, #tpu.memory_space<vmem>> -> memref<2xf32, #tpu.memory_space<vmem>>
    tpu.wait_dma2 semaphore(%arg14 : memref<!tpu.dma_semaphore, #tpu.memory_space<semaphore_mem>>) src(%arg2 : memref<2xf32, #tpu.memory_space<hbm>>) dst(%dma_wait3A_39 : memref<2xf32, #tpu.memory_space<vmem>>)
    %dma_wait3A_40 = arith.constant 1 : i32
    %dma_wait3A_41 = arith.constant 0 : i32
    %dma_wait3A_42 = tpu.memref_slice %arg10[%dma_wait3A_40, %dma_wait3A_41] : memref<4x16xf32, #tpu.memory_space<vmem>> -> memref<1x6xf32, #tpu.memory_space<vmem>>
    %dma_wait3A_43 = tpu.memref_squeeze %dma_wait3A_42 : memref<1x6xf32, #tpu.memory_space<vmem>> -> memref<6xf32, #tpu.memory_space<vmem>>
    %dma_wait3A_44 = arith.constant 0 : i32
    %dma_wait3A_45 = tpu.memref_slice %arg10[%dma_wait3A_40, %dma_wait3A_44] : memref<4x16xf32, #tpu.memory_space<vmem>> -> memref<1x6xf32, #tpu.memory_space<vmem>>
    %dma_wait3A_46 = tpu.memref_squeeze %dma_wait3A_45 : memref<1x6xf32, #tpu.memory_space<vmem>> -> memref<6xf32, #tpu.memory_space<vmem>>
    tpu.wait_dma2 semaphore(%arg14 : memref<!tpu.dma_semaphore, #tpu.memory_space<semaphore_mem>>) src(%arg4 : memref<6xf32, #tpu.memory_space<hbm>>) dst(%dma_wait3A_46 : memref<6xf32, #tpu.memory_space<vmem>>)
    %dma_wait3A_47 = arith.constant 2 : i32
    %dma_wait3A_48 = arith.constant 0 : i32
    %dma_wait3A_49 = tpu.memref_slice %arg10[%dma_wait3A_47, %dma_wait3A_48] : memref<4x16xf32, #tpu.memory_space<vmem>> -> memref<1x4xf32, #tpu.memory_space<vmem>>
    %dma_wait3A_50 = tpu.memref_squeeze %dma_wait3A_49 : memref<1x4xf32, #tpu.memory_space<vmem>> -> memref<4xf32, #tpu.memory_space<vmem>>
    %dma_wait3A_51 = arith.constant 0 : i32
    %dma_wait3A_52 = tpu.memref_slice %arg10[%dma_wait3A_47, %dma_wait3A_51] : memref<4x16xf32, #tpu.memory_space<vmem>> -> memref<1x4xf32, #tpu.memory_space<vmem>>
    %dma_wait3A_53 = tpu.memref_squeeze %dma_wait3A_52 : memref<1x4xf32, #tpu.memory_space<vmem>> -> memref<4xf32, #tpu.memory_space<vmem>>
    tpu.wait_dma2 semaphore(%arg14 : memref<!tpu.dma_semaphore, #tpu.memory_space<semaphore_mem>>) src(%arg5 : memref<4xf32, #tpu.memory_space<hbm>>) dst(%dma_wait3A_53 : memref<4xf32, #tpu.memory_space<vmem>>)
    %dma_wait3A_54 = arith.constant 3 : i32
    %dma_wait3A_55 = arith.constant 0 : i32
    %dma_wait3A_56 = tpu.memref_slice %arg10[%dma_wait3A_54, %dma_wait3A_55] : memref<4x16xf32, #tpu.memory_space<vmem>> -> memref<1x4xf32, #tpu.memory_space<vmem>>
    %dma_wait3A_57 = tpu.memref_squeeze %dma_wait3A_56 : memref<1x4xf32, #tpu.memory_space<vmem>> -> memref<4xf32, #tpu.memory_space<vmem>>
    %dma_wait3A_58 = arith.constant 0 : i32
    %dma_wait3A_59 = tpu.memref_slice %arg10[%dma_wait3A_54, %dma_wait3A_58] : memref<4x16xf32, #tpu.memory_space<vmem>> -> memref<1x4xf32, #tpu.memory_space<vmem>>
    %dma_wait3A_60 = tpu.memref_squeeze %dma_wait3A_59 : memref<1x4xf32, #tpu.memory_space<vmem>> -> memref<4xf32, #tpu.memory_space<vmem>>
    tpu.wait_dma2 semaphore(%arg14 : memref<!tpu.dma_semaphore, #tpu.memory_space<semaphore_mem>>) src(%arg6 : memref<4xf32, #tpu.memory_space<hbm>>) dst(%dma_wait3A_60 : memref<4xf32, #tpu.memory_space<vmem>>)
    %iota3A = tpu.iota {dimensions = array<i32: 0>} : vector<16xi32>
    %broadcast_in_dim3A_61 = arith.constant 0.000000e+00 : f32
    %broadcast_in_dim3A_62 = vector.broadcast %broadcast_in_dim3A_61 : f32 to vector<16xf32>
    %get3A = arith.constant 1 : i32
    %get3A_63 = arith.index_cast %get3A : i32 to index
    %get3A_64 = arith.constant 0 : index
    %get3A_65 = tpu.vector_load %arg10[%get3A_63, %get3A_64] {strides = array<i32>} : memref<4x16xf32, #tpu.memory_space<vmem>>, vector<1x16xf32>,
    %get3A_66 = vector.shape_cast %get3A_65 : vector<1x16xf32> to vector<16xf32>
    %get3A_67 = arith.constant 3 : i32
    %get3A_68 = arith.index_cast %get3A_67 : i32 to index
    %get3A_69 = arith.constant 0 : index
    %get3A_70 = tpu.vector_load %arg10[%get3A_68, %get3A_69] {strides = array<i32>} : memref<4x16xf32, #tpu.memory_space<vmem>>, vector<1x16xf32>,
    %get3A_71 = vector.shape_cast %get3A_70 : vector<1x16xf32> to vector<16xf32>
    %lt3A = arith.constant 6 : i32
    %lt3A_72 = vector.broadcast %lt3A : i32 to vector<16xi32>
    %lt3A_73 = arith.cmpi slt, %iota3A, %lt3A_72 : vector<16xi32>
    %and3A = arith.constant 15 : i32
    %and3A_74 = vector.broadcast %and3A : i32 to vector<16xi32>
    %and3A_75 = arith.andi %iota3A, %and3A_74 : vector<16xi32>
    %broadcast_in_dim3A_76 = vector.shape_cast %and3A_75 : vector<16xi32> to vector<16x1xi32>
    %gather3A = vector.shape_cast %broadcast_in_dim3A_76 : vector<16x1xi32> to vector<16xi32>
    %gather3A_77 = tpu.dynamic_gather %get3A_66[%gather3A] in [0] : vector<16xf32>, vector<16xi32> -> vector<16xf32>
    %and3A_78 = arith.constant 1 : i32
    %and3A_79 = vector.broadcast %and3A_78 : i32 to vector<16xi32>
    %and3A_80 = arith.andi %iota3A, %and3A_79 : vector<16xi32>
    %add3A = arith.constant 2 : i32
    %add3A_81 = vector.broadcast %add3A : i32 to vector<16xi32>
    %add3A_82 = arith.addi %add3A_81, %and3A_80 : vector<16xi32>
    %broadcast_in_dim3A_83 = vector.shape_cast %add3A_82 : vector<16xi32> to vector<16x1xi32>
    %gather3A_84 = vector.shape_cast %broadcast_in_dim3A_83 : vector<16x1xi32> to vector<16xi32>
    %gather3A_85 = tpu.dynamic_gather %get3A_71[%gather3A_84] in [0] : vector<16xf32>, vector<16xi32> -> vector<16xf32>
    %mul3A_86 = arith.mulf %gather3A_77, %gather3A_85 : vector<16xf32>
    %select_n3A = arith.select %lt3A_73, %mul3A_86, %broadcast_in_dim3A_62 : vector<16xi1>, vector<16xf32>
    %lt3A_87 = arith.constant 2 : i32
    %lt3A_88 = vector.broadcast %lt3A_87 : i32 to vector<16xi32>
    %lt3A_89 = arith.cmpi slt, %iota3A, %lt3A_88 : vector<16xi32>
    %lt3A_90 = arith.constant 4 : i32
    %lt3A_91 = vector.broadcast %lt3A_90 : i32 to vector<16xi32>
    %lt3A_92 = arith.cmpi slt, %iota3A, %lt3A_91 : vector<16xi32>
    %lt3A_93 = arith.constant 6 : i32
    %lt3A_94 = vector.broadcast %lt3A_93 : i32 to vector<16xi32>
    %lt3A_95 = arith.cmpi slt, %iota3A, %lt3A_94 : vector<16xi32>
    %jit3A = arith.constant -6.10351563E-5 : f32
    %jit3A_96 = arith.constant 0.000000e+00 : f32
    %broadcast_in_dim3A_97 = vector.broadcast %jit3A : f32 to vector<16xf32>
    %broadcast_in_dim3A_98 = vector.broadcast %jit3A_96 : f32 to vector<16xf32>
    %select_n3A_99 = arith.select %lt3A_95, %broadcast_in_dim3A_97, %broadcast_in_dim3A_98 : vector<16xi1>, vector<16xf32>
    %jit3A_100 = arith.constant 2.44140625E-4 : f32
    %broadcast_in_dim3A_101 = vector.broadcast %jit3A_100 : f32 to vector<16xf32>
    %select_n3A_102 = arith.select %lt3A_92, %broadcast_in_dim3A_101, %select_n3A_99 : vector<16xi1>, vector<16xf32>
    %jit3A_103 = arith.constant -1.83105469E-4 : f32
    %broadcast_in_dim3A_104 = vector.broadcast %jit3A_103 : f32 to vector<16xf32>
    %select_n3A_105 = arith.select %lt3A_89, %broadcast_in_dim3A_104, %select_n3A_102 : vector<16xi1>, vector<16xf32>
    %lt3A_106 = arith.constant 2 : i32
    %lt3A_107 = vector.broadcast %lt3A_106 : i32 to vector<16xi32>
    %lt3A_108 = arith.cmpi slt, %iota3A, %lt3A_107 : vector<16xi32>
    %lt3A_109 = arith.constant 4 : i32
    %lt3A_110 = vector.broadcast %lt3A_109 : i32 to vector<16xi32>
    %lt3A_111 = arith.cmpi slt, %iota3A, %lt3A_110 : vector<16xi32>
    %lt3A_112 = arith.constant 6 : i32
    %lt3A_113 = vector.broadcast %lt3A_112 : i32 to vector<16xi32>
    %lt3A_114 = arith.cmpi slt, %iota3A, %lt3A_113 : vector<16xi32>
    %jit3A_115 = arith.constant 6.10351563E-5 : f32
    %jit3A_116 = arith.constant 0.000000e+00 : f32
    %broadcast_in_dim3A_117 = vector.broadcast %jit3A_115 : f32 to vector<16xf32>
    %broadcast_in_dim3A_118 = vector.broadcast %jit3A_116 : f32 to vector<16xf32>
    %select_n3A_119 = arith.select %lt3A_114, %broadcast_in_dim3A_117, %broadcast_in_dim3A_118 : vector<16xi1>, vector<16xf32>
    %jit3A_120 = arith.constant -1.22070313E-4 : f32
    %broadcast_in_dim3A_121 = vector.broadcast %jit3A_120 : f32 to vector<16xf32>
    %select_n3A_122 = arith.select %lt3A_111, %broadcast_in_dim3A_121, %select_n3A_119 : vector<16xi1>, vector<16xf32>
    %jit3A_123 = arith.constant 6.10351563E-5 : f32
    %broadcast_in_dim3A_124 = vector.broadcast %jit3A_123 : f32 to vector<16xf32>
    %select_n3A_125 = arith.select %lt3A_108, %broadcast_in_dim3A_124, %select_n3A_122 : vector<16xi1>, vector<16xf32>
    %mul3A_126 = arith.mulf %select_n3A, %select_n3A_105 : vector<16xf32>
    %iota3A_127 = tpu.iota {dimensions = array<i32: 0>} : vector<16xi32>
    %add3A_128 = arith.constant 8 : i32
    %add3A_129 = vector.broadcast %add3A_128 : i32 to vector<16xi32>
    %add3A_130 = arith.addi %iota3A_127, %add3A_129 : vector<16xi32>
    %and3A_131 = arith.constant 15 : i32
    %and3A_132 = vector.broadcast %and3A_131 : i32 to vector<16xi32>
    %and3A_133 = arith.andi %add3A_130, %and3A_132 : vector<16xi32>
    %broadcast_in_dim3A_134 = vector.shape_cast %and3A_133 : vector<16xi32> to vector<16x1xi32>
    %gather3A_135 = vector.shape_cast %broadcast_in_dim3A_134 : vector<16x1xi32> to vector<16xi32>
    %gather3A_136 = tpu.dynamic_gather %mul3A_126[%gather3A_135] in [0] : vector<16xf32>, vector<16xi32> -> vector<16xf32>
    %add3A_137 = arith.addf %mul3A_126, %gather3A_136 : vector<16xf32>
    %add3A_138 = arith.constant 4 : i32
    %add3A_139 = vector.broadcast %add3A_138 : i32 to vector<16xi32>
    %add3A_140 = arith.addi %iota3A_127, %add3A_139 : vector<16xi32>
    %and3A_141 = arith.constant 15 : i32
    %and3A_142 = vector.broadcast %and3A_141 : i32 to vector<16xi32>
    %and3A_143 = arith.andi %add3A_140, %and3A_142 : vector<16xi32>
    %broadcast_in_dim3A_144 = vector.shape_cast %and3A_143 : vector<16xi32> to vector<16x1xi32>
    %gather3A_145 = vector.shape_cast %broadcast_in_dim3A_144 : vector<16x1xi32> to vector<16xi32>
    %gather3A_146 = tpu.dynamic_gather %add3A_137[%gather3A_145] in [0] : vector<16xf32>, vector<16xi32> -> vector<16xf32>
    %add3A_147 = arith.addf %add3A_137, %gather3A_146 : vector<16xf32>
    %add3A_148 = arith.constant 2 : i32
    %add3A_149 = vector.broadcast %add3A_148 : i32 to vector<16xi32>
    %add3A_150 = arith.addi %iota3A_127, %add3A_149 : vector<16xi32>
    %and3A_151 = arith.constant 15 : i32
    %and3A_152 = vector.broadcast %and3A_151 : i32 to vector<16xi32>
    %and3A_153 = arith.andi %add3A_150, %and3A_152 : vector<16xi32>
    %broadcast_in_dim3A_154 = vector.shape_cast %and3A_153 : vector<16xi32> to vector<16x1xi32>
    %gather3A_155 = vector.shape_cast %broadcast_in_dim3A_154 : vector<16x1xi32> to vector<16xi32>
    %gather3A_156 = tpu.dynamic_gather %add3A_147[%gather3A_155] in [0] : vector<16xf32>, vector<16xi32> -> vector<16xf32>
    %add3A_157 = arith.addf %add3A_147, %gather3A_156 : vector<16xf32>
    %add3A_158 = arith.constant 1 : i32
    %add3A_159 = vector.broadcast %add3A_158 : i32 to vector<16xi32>
    %add3A_160 = arith.addi %iota3A_127, %add3A_159 : vector<16xi32>
    %and3A_161 = arith.constant 15 : i32
    %and3A_162 = vector.broadcast %and3A_161 : i32 to vector<16xi32>
    %and3A_163 = arith.andi %add3A_160, %and3A_162 : vector<16xi32>
    %broadcast_in_dim3A_164 = vector.shape_cast %and3A_163 : vector<16xi32> to vector<16x1xi32>
    %gather3A_165 = vector.shape_cast %broadcast_in_dim3A_164 : vector<16x1xi32> to vector<16xi32>
    %gather3A_166 = tpu.dynamic_gather %add3A_157[%gather3A_165] in [0] : vector<16xf32>, vector<16xi32> -> vector<16xf32>
    %add3A_167 = arith.addf %add3A_157, %gather3A_166 : vector<16xf32>
    %mul3A_168 = arith.mulf %select_n3A, %select_n3A_125 : vector<16xf32>
    %iota3A_169 = tpu.iota {dimensions = array<i32: 0>} : vector<16xi32>
    %add3A_170 = arith.constant 8 : i32
    %add3A_171 = vector.broadcast %add3A_170 : i32 to vector<16xi32>
    %add3A_172 = arith.addi %iota3A_169, %add3A_171 : vector<16xi32>
    %and3A_173 = arith.constant 15 : i32
    %and3A_174 = vector.broadcast %and3A_173 : i32 to vector<16xi32>
    %and3A_175 = arith.andi %add3A_172, %and3A_174 : vector<16xi32>
    %broadcast_in_dim3A_176 = vector.shape_cast %and3A_175 : vector<16xi32> to vector<16x1xi32>
    %gather3A_177 = vector.shape_cast %broadcast_in_dim3A_176 : vector<16x1xi32> to vector<16xi32>
    %gather3A_178 = tpu.dynamic_gather %mul3A_168[%gather3A_177] in [0] : vector<16xf32>, vector<16xi32> -> vector<16xf32>
    %add3A_179 = arith.addf %mul3A_168, %gather3A_178 : vector<16xf32>
    %add3A_180 = arith.constant 4 : i32
    %add3A_181 = vector.broadcast %add3A_180 : i32 to vector<16xi32>
    %add3A_182 = arith.addi %iota3A_169, %add3A_181 : vector<16xi32>
    %and3A_183 = arith.constant 15 : i32
    %and3A_184 = vector.broadcast %and3A_183 : i32 to vector<16xi32>
    %and3A_185 = arith.andi %add3A_182, %and3A_184 : vector<16xi32>
    %broadcast_in_dim3A_186 = vector.shape_cast %and3A_185 : vector<16xi32> to vector<16x1xi32>
    %gather3A_187 = vector.shape_cast %broadcast_in_dim3A_186 : vector<16x1xi32> to vector<16xi32>
    %gather3A_188 = tpu.dynamic_gather %add3A_179[%gather3A_187] in [0] : vector<16xf32>, vector<16xi32> -> vector<16xf32>
    %add3A_189 = arith.addf %add3A_179, %gather3A_188 : vector<16xf32>
    %add3A_190 = arith.constant 2 : i32
    %add3A_191 = vector.broadcast %add3A_190 : i32 to vector<16xi32>
    %add3A_192 = arith.addi %iota3A_169, %add3A_191 : vector<16xi32>
    %and3A_193 = arith.constant 15 : i32
    %and3A_194 = vector.broadcast %and3A_193 : i32 to vector<16xi32>
    %and3A_195 = arith.andi %add3A_192, %and3A_194 : vector<16xi32>
    %broadcast_in_dim3A_196 = vector.shape_cast %and3A_195 : vector<16xi32> to vector<16x1xi32>
    %gather3A_197 = vector.shape_cast %broadcast_in_dim3A_196 : vector<16x1xi32> to vector<16xi32>
    %gather3A_198 = tpu.dynamic_gather %add3A_189[%gather3A_197] in [0] : vector<16xf32>, vector<16xi32> -> vector<16xf32>
    %add3A_199 = arith.addf %add3A_189, %gather3A_198 : vector<16xf32>
    %add3A_200 = arith.constant 1 : i32
    %add3A_201 = vector.broadcast %add3A_200 : i32 to vector<16xi32>
    %add3A_202 = arith.addi %iota3A_169, %add3A_201 : vector<16xi32>
    %and3A_203 = arith.constant 15 : i32
    %and3A_204 = vector.broadcast %and3A_203 : i32 to vector<16xi32>
    %and3A_205 = arith.andi %add3A_202, %and3A_204 : vector<16xi32>
    %broadcast_in_dim3A_206 = vector.shape_cast %and3A_205 : vector<16xi32> to vector<16x1xi32>
    %gather3A_207 = vector.shape_cast %broadcast_in_dim3A_206 : vector<16x1xi32> to vector<16xi32>
    %gather3A_208 = tpu.dynamic_gather %add3A_199[%gather3A_207] in [0] : vector<16xf32>, vector<16xi32> -> vector<16xf32>
    %add3A_209 = arith.addf %add3A_199, %gather3A_208 : vector<16xf32>
    %convert_element_type3A = arith.sitofp %scan3A_32#0 : vector<16xi32> to vector<16xf32>
    %mul3A_210 = arith.mulf %add3A_167, %convert_element_type3A : vector<16xf32>
    %convert_element_type3A_211 = arith.sitofp %scan3A_32#1 : vector<16xi32> to vector<16xf32>
    %mul3A_212 = arith.mulf %add3A_209, %convert_element_type3A_211 : vector<16xf32>
    %add3A_213 = arith.addf %mul3A_210, %mul3A_212 : vector<16xf32>
    %swap3A = arith.constant 0 : i32
    %swap3A_214 = arith.index_cast %swap3A : i32 to index
    %swap3A_215 = arith.constant 0 : index
    %swap3A_216 = tpu.vector_load %arg11[%swap3A_214, %swap3A_215] {strides = array<i32>} : memref<1x16xf32, #tpu.memory_space<vmem>>, vector<1x16xf32>,
    %swap3A_217 = vector.shape_cast %swap3A_216 : vector<1x16xf32> to vector<16xf32>
    %swap3A_218 = vector.shape_cast %add3A_213 : vector<16xf32> to vector<1x16xf32>
    tpu.vector_store %arg11[%swap3A_214, %swap3A_215], %swap3A_218 {strides = array<i32>} : memref<1x16xf32, #tpu.memory_space<vmem>>, vector<1x16xf32>,
    "tpu.region"() ({
      %run_scoped3A = tpu.sem_alloc : memref<!tpu.dma_semaphore, #tpu.memory_space<semaphore_mem>>
      %dma_start3A_222 = arith.constant 0 : i32
      %dma_start3A_223 = tpu.memref_slice %arg8[%arg1, %dma_start3A_222] : memref<16x16xf32, #tpu.memory_space<hbm>> -> memref<1x16xf32, #tpu.memory_space<hbm>>
      %dma_start3A_224 = arith.constant 0 : i32
      %dma_start3A_225 = tpu.memref_slice %arg8[%arg1, %dma_start3A_224] : memref<16x16xf32, #tpu.memory_space<hbm>> -> memref<1x16xf32, #tpu.memory_space<hbm>>
      tpu.enqueue_dma source(%arg11 : memref<1x16xf32, #tpu.memory_space<vmem>>) target(%dma_start3A_225 : memref<1x16xf32, #tpu.memory_space<hbm>>) target_semaphore(%run_scoped3A : memref<!tpu.dma_semaphore, #tpu.memory_space<semaphore_mem>>)
      %dma_wait3A_226 = arith.constant 0 : i32
      %dma_wait3A_227 = tpu.memref_slice %arg8[%arg1, %dma_wait3A_226] : memref<16x16xf32, #tpu.memory_space<hbm>> -> memref<1x16xf32, #tpu.memory_space<hbm>>
      %dma_wait3A_228 = arith.constant 0 : i32
      %dma_wait3A_229 = tpu.memref_slice %arg8[%arg1, %dma_wait3A_228] : memref<16x16xf32, #tpu.memory_space<hbm>> -> memref<1x16xf32, #tpu.memory_space<hbm>>
      tpu.wait_dma2 semaphore(%run_scoped3A : memref<!tpu.dma_semaphore, #tpu.memory_space<semaphore_mem>>) src(%arg11 : memref<1x16xf32, #tpu.memory_space<vmem>>) dst(%dma_wait3A_229 : memref<1x16xf32, #tpu.memory_space<hbm>>)
      tpu.yield
    }) : () -> ()
    %barrier3A = arith.constant 0 : index
    tpu.barrier barrier_id(%barrier3A)
    %eq3A = arith.constant 0 : i32
    %eq3A_219 = arith.cmpi eq, %arg1, %eq3A : i32
    %convert_element_type3A_220 = arith.extui %eq3A_219 : i1 to i32
    %cond3A = arith.constant 0 : i32
    %cond3A_221 = arith.cmpi ne, %convert_element_type3A_220, %cond3A : i32
    scf.if %cond3A_221 {
      "tpu.region"() ({
        %run_scoped3A = tpu.sem_alloc : memref<!tpu.dma_semaphore, #tpu.memory_space<semaphore_mem>>
        tpu.enqueue_dma source(%arg8 : memref<16x16xf32, #tpu.memory_space<hbm>>) target(%arg12 : memref<16x16xf32, #tpu.memory_space<vmem>>) target_semaphore(%run_scoped3A : memref<!tpu.dma_semaphore, #tpu.memory_space<semaphore_mem>>)
        tpu.wait_dma2 semaphore(%run_scoped3A : memref<!tpu.dma_semaphore, #tpu.memory_space<semaphore_mem>>) src(%arg8 : memref<16x16xf32, #tpu.memory_space<hbm>>) dst(%arg12 : memref<16x16xf32, #tpu.memory_space<vmem>>)
        tpu.yield
      }) : () -> ()
      %get3A_222 = arith.constant 0 : i32
      %get3A_223 = arith.index_cast %get3A_222 : i32 to index
      %get3A_224 = arith.constant 0 : index
      %get3A_225 = tpu.vector_load %arg12[%get3A_223, %get3A_224] {strides = array<i32>} : memref<16x16xf32, #tpu.memory_space<vmem>>, vector<1x16xf32>,
      %get3A_226 = vector.shape_cast %get3A_225 : vector<1x16xf32> to vector<16xf32>
      %get3A_227 = arith.constant 1 : i32
      %get3A_228 = arith.index_cast %get3A_227 : i32 to index
      %get3A_229 = arith.constant 0 : index
      %get3A_230 = tpu.vector_load %arg12[%get3A_228, %get3A_229] {strides = array<i32>} : memref<16x16xf32, #tpu.memory_space<vmem>>, vector<1x16xf32>,
      %get3A_231 = vector.shape_cast %get3A_230 : vector<1x16xf32> to vector<16xf32>
      %add3A_232 = arith.addf %get3A_226, %get3A_231 : vector<16xf32>
      %get3A_233 = arith.constant 2 : i32
      %get3A_234 = arith.index_cast %get3A_233 : i32 to index
      %get3A_235 = arith.constant 0 : index
      %get3A_236 = tpu.vector_load %arg12[%get3A_234, %get3A_235] {strides = array<i32>} : memref<16x16xf32, #tpu.memory_space<vmem>>, vector<1x16xf32>,
      %get3A_237 = vector.shape_cast %get3A_236 : vector<1x16xf32> to vector<16xf32>
      %add3A_238 = arith.addf %add3A_232, %get3A_237 : vector<16xf32>
      %get3A_239 = arith.constant 3 : i32
      %get3A_240 = arith.index_cast %get3A_239 : i32 to index
      %get3A_241 = arith.constant 0 : index
      %get3A_242 = tpu.vector_load %arg12[%get3A_240, %get3A_241] {strides = array<i32>} : memref<16x16xf32, #tpu.memory_space<vmem>>, vector<1x16xf32>,
      %get3A_243 = vector.shape_cast %get3A_242 : vector<1x16xf32> to vector<16xf32>
      %add3A_244 = arith.addf %add3A_238, %get3A_243 : vector<16xf32>
      %get3A_245 = arith.constant 4 : i32
      %get3A_246 = arith.index_cast %get3A_245 : i32 to index
      %get3A_247 = arith.constant 0 : index
      %get3A_248 = tpu.vector_load %arg12[%get3A_246, %get3A_247] {strides = array<i32>} : memref<16x16xf32, #tpu.memory_space<vmem>>, vector<1x16xf32>,
      %get3A_249 = vector.shape_cast %get3A_248 : vector<1x16xf32> to vector<16xf32>
      %add3A_250 = arith.addf %add3A_244, %get3A_249 : vector<16xf32>
      %get3A_251 = arith.constant 5 : i32
      %get3A_252 = arith.index_cast %get3A_251 : i32 to index
      %get3A_253 = arith.constant 0 : index
      %get3A_254 = tpu.vector_load %arg12[%get3A_252, %get3A_253] {strides = array<i32>} : memref<16x16xf32, #tpu.memory_space<vmem>>, vector<1x16xf32>,
      %get3A_255 = vector.shape_cast %get3A_254 : vector<1x16xf32> to vector<16xf32>
      %add3A_256 = arith.addf %add3A_250, %get3A_255 : vector<16xf32>
      %get3A_257 = arith.constant 6 : i32
      %get3A_258 = arith.index_cast %get3A_257 : i32 to index
      %get3A_259 = arith.constant 0 : index
      %get3A_260 = tpu.vector_load %arg12[%get3A_258, %get3A_259] {strides = array<i32>} : memref<16x16xf32, #tpu.memory_space<vmem>>, vector<1x16xf32>,
      %get3A_261 = vector.shape_cast %get3A_260 : vector<1x16xf32> to vector<16xf32>
      %add3A_262 = arith.addf %add3A_256, %get3A_261 : vector<16xf32>
      %get3A_263 = arith.constant 7 : i32
      %get3A_264 = arith.index_cast %get3A_263 : i32 to index
      %get3A_265 = arith.constant 0 : index
      %get3A_266 = tpu.vector_load %arg12[%get3A_264, %get3A_265] {strides = array<i32>} : memref<16x16xf32, #tpu.memory_space<vmem>>, vector<1x16xf32>,
      %get3A_267 = vector.shape_cast %get3A_266 : vector<1x16xf32> to vector<16xf32>
      %add3A_268 = arith.addf %add3A_262, %get3A_267 : vector<16xf32>
      %get3A_269 = arith.constant 8 : i32
      %get3A_270 = arith.index_cast %get3A_269 : i32 to index
      %get3A_271 = arith.constant 0 : index
      %get3A_272 = tpu.vector_load %arg12[%get3A_270, %get3A_271] {strides = array<i32>} : memref<16x16xf32, #tpu.memory_space<vmem>>, vector<1x16xf32>,
      %get3A_273 = vector.shape_cast %get3A_272 : vector<1x16xf32> to vector<16xf32>
      %add3A_274 = arith.addf %add3A_268, %get3A_273 : vector<16xf32>
      %get3A_275 = arith.constant 9 : i32
      %get3A_276 = arith.index_cast %get3A_275 : i32 to index
      %get3A_277 = arith.constant 0 : index
      %get3A_278 = tpu.vector_load %arg12[%get3A_276, %get3A_277] {strides = array<i32>} : memref<16x16xf32, #tpu.memory_space<vmem>>, vector<1x16xf32>,
      %get3A_279 = vector.shape_cast %get3A_278 : vector<1x16xf32> to vector<16xf32>
      %add3A_280 = arith.addf %add3A_274, %get3A_279 : vector<16xf32>
      %get3A_281 = arith.constant 10 : i32
      %get3A_282 = arith.index_cast %get3A_281 : i32 to index
      %get3A_283 = arith.constant 0 : index
      %get3A_284 = tpu.vector_load %arg12[%get3A_282, %get3A_283] {strides = array<i32>} : memref<16x16xf32, #tpu.memory_space<vmem>>, vector<1x16xf32>,
      %get3A_285 = vector.shape_cast %get3A_284 : vector<1x16xf32> to vector<16xf32>
      %add3A_286 = arith.addf %add3A_280, %get3A_285 : vector<16xf32>
      %get3A_287 = arith.constant 11 : i32
      %get3A_288 = arith.index_cast %get3A_287 : i32 to index
      %get3A_289 = arith.constant 0 : index
      %get3A_290 = tpu.vector_load %arg12[%get3A_288, %get3A_289] {strides = array<i32>} : memref<16x16xf32, #tpu.memory_space<vmem>>, vector<1x16xf32>,
      %get3A_291 = vector.shape_cast %get3A_290 : vector<1x16xf32> to vector<16xf32>
      %add3A_292 = arith.addf %add3A_286, %get3A_291 : vector<16xf32>
      %get3A_293 = arith.constant 12 : i32
      %get3A_294 = arith.index_cast %get3A_293 : i32 to index
      %get3A_295 = arith.constant 0 : index
      %get3A_296 = tpu.vector_load %arg12[%get3A_294, %get3A_295] {strides = array<i32>} : memref<16x16xf32, #tpu.memory_space<vmem>>, vector<1x16xf32>,
      %get3A_297 = vector.shape_cast %get3A_296 : vector<1x16xf32> to vector<16xf32>
      %add3A_298 = arith.addf %add3A_292, %get3A_297 : vector<16xf32>
      %get3A_299 = arith.constant 13 : i32
      %get3A_300 = arith.index_cast %get3A_299 : i32 to index
      %get3A_301 = arith.constant 0 : index
      %get3A_302 = tpu.vector_load %arg12[%get3A_300, %get3A_301] {strides = array<i32>} : memref<16x16xf32, #tpu.memory_space<vmem>>, vector<1x16xf32>,
      %get3A_303 = vector.shape_cast %get3A_302 : vector<1x16xf32> to vector<16xf32>
      %add3A_304 = arith.addf %add3A_298, %get3A_303 : vector<16xf32>
      %get3A_305 = arith.constant 14 : i32
      %get3A_306 = arith.index_cast %get3A_305 : i32 to index
      %get3A_307 = arith.constant 0 : index
      %get3A_308 = tpu.vector_load %arg12[%get3A_306, %get3A_307] {strides = array<i32>} : memref<16x16xf32, #tpu.memory_space<vmem>>, vector<1x16xf32>,
      %get3A_309 = vector.shape_cast %get3A_308 : vector<1x16xf32> to vector<16xf32>
      %add3A_310 = arith.addf %add3A_304, %get3A_309 : vector<16xf32>
      %get3A_311 = arith.constant 15 : i32
      %get3A_312 = arith.index_cast %get3A_311 : i32 to index
      %get3A_313 = arith.constant 0 : index
      %get3A_314 = tpu.vector_load %arg12[%get3A_312, %get3A_313] {strides = array<i32>} : memref<16x16xf32, #tpu.memory_space<vmem>>, vector<1x16xf32>,
      %get3A_315 = vector.shape_cast %get3A_314 : vector<1x16xf32> to vector<16xf32>
      %add3A_316 = arith.addf %add3A_310, %get3A_315 : vector<16xf32>
      %get3A_317 = arith.constant 0 : i32
      %get3A_318 = arith.index_cast %get3A_317 : i32 to index
      %get3A_319 = arith.constant 0 : index
      %get3A_320 = tpu.vector_load %arg10[%get3A_318, %get3A_319] {strides = array<i32>} : memref<4x16xf32, #tpu.memory_space<vmem>>, vector<1x16xf32>,
      %get3A_321 = vector.shape_cast %get3A_320 : vector<1x16xf32> to vector<16xf32>
      %get3A_322 = arith.constant 2 : i32
      %get3A_323 = arith.index_cast %get3A_322 : i32 to index
      %get3A_324 = arith.constant 0 : index
      %get3A_325 = tpu.vector_load %arg10[%get3A_323, %get3A_324] {strides = array<i32>} : memref<4x16xf32, #tpu.memory_space<vmem>>, vector<1x16xf32>,
      %get3A_326 = vector.shape_cast %get3A_325 : vector<1x16xf32> to vector<16xf32>
      %lt3A_327 = arith.constant 4 : i32
      %lt3A_328 = vector.broadcast %lt3A_327 : i32 to vector<16xi32>
      %lt3A_329 = arith.cmpi slt, %iota3A, %lt3A_328 : vector<16xi32>
      %and3A_330 = arith.constant 1 : i32
      %and3A_331 = vector.broadcast %and3A_330 : i32 to vector<16xi32>
      %and3A_332 = arith.andi %iota3A, %and3A_331 : vector<16xi32>
      %broadcast_in_dim3A_333 = vector.shape_cast %and3A_332 : vector<16xi32> to vector<16x1xi32>
      %gather3A_334 = vector.shape_cast %broadcast_in_dim3A_333 : vector<16x1xi32> to vector<16xi32>
      %gather3A_335 = tpu.dynamic_gather %get3A_321[%gather3A_334] in [0] : vector<16xf32>, vector<16xi32> -> vector<16xf32>
      %mul3A_336 = arith.mulf %gather3A_335, %get3A_326 : vector<16xf32>
      %shift_right_logical3A = arith.constant 1 : i32
      %shift_right_logical3A_337 = vector.broadcast %shift_right_logical3A : i32 to vector<16xi32>
      %shift_right_logical3A_338 = arith.shrui %iota3A, %shift_right_logical3A_337 : vector<16xi32>
      %and3A_339 = arith.constant 1 : i32
      %and3A_340 = vector.broadcast %and3A_339 : i32 to vector<16xi32>
      %and3A_341 = arith.andi %shift_right_logical3A_338, %and3A_340 : vector<16xi32>
      %broadcast_in_dim3A_342 = vector.shape_cast %and3A_341 : vector<16xi32> to vector<16x1xi32>
      %gather3A_343 = vector.shape_cast %broadcast_in_dim3A_342 : vector<16x1xi32> to vector<16xi32>
      %gather3A_344 = tpu.dynamic_gather %get3A_71[%gather3A_343] in [0] : vector<16xf32>, vector<16xi32> -> vector<16xf32>
      %mul3A_345 = arith.mulf %mul3A_336, %gather3A_344 : vector<16xf32>
      %select_n3A_346 = arith.select %lt3A_329, %mul3A_345, %broadcast_in_dim3A_62 : vector<16xi1>, vector<16xf32>
      %lt3A_347 = arith.constant 2 : i32
      %lt3A_348 = vector.broadcast %lt3A_347 : i32 to vector<16xi32>
      %lt3A_349 = arith.cmpi slt, %iota3A, %lt3A_348 : vector<16xi32>
      %mul3A_350 = arith.constant 2.000000e+00 : f32
      %mul3A_351 = vector.broadcast %mul3A_350 : f32 to vector<16xf32>
      %mul3A_352 = arith.mulf %mul3A_351, %select_n3A : vector<16xf32>
      %select_n3A_353 = arith.select %lt3A_349, %mul3A_352, %broadcast_in_dim3A_62 : vector<16xi1>, vector<16xf32>
      %add3A_354 = arith.addf %add3A_316, %select_n3A_346 : vector<16xf32>
      %add3A_355 = arith.addf %add3A_354, %select_n3A_353 : vector<16xf32>
      %iota3A_356 = tpu.iota {dimensions = array<i32: 0>} : vector<16xi32>
      %add3A_357 = arith.constant 8 : i32
      %add3A_358 = vector.broadcast %add3A_357 : i32 to vector<16xi32>
      %add3A_359 = arith.addi %iota3A_356, %add3A_358 : vector<16xi32>
      %and3A_360 = arith.constant 15 : i32
      %and3A_361 = vector.broadcast %and3A_360 : i32 to vector<16xi32>
      %and3A_362 = arith.andi %add3A_359, %and3A_361 : vector<16xi32>
      %broadcast_in_dim3A_363 = vector.shape_cast %and3A_362 : vector<16xi32> to vector<16x1xi32>
      %gather3A_364 = vector.shape_cast %broadcast_in_dim3A_363 : vector<16x1xi32> to vector<16xi32>
      %gather3A_365 = tpu.dynamic_gather %add3A_355[%gather3A_364] in [0] : vector<16xf32>, vector<16xi32> -> vector<16xf32>
      %add3A_366 = arith.addf %add3A_355, %gather3A_365 : vector<16xf32>
      %add3A_367 = arith.constant 4 : i32
      %add3A_368 = vector.broadcast %add3A_367 : i32 to vector<16xi32>
      %add3A_369 = arith.addi %iota3A_356, %add3A_368 : vector<16xi32>
      %and3A_370 = arith.constant 15 : i32
      %and3A_371 = vector.broadcast %and3A_370 : i32 to vector<16xi32>
      %and3A_372 = arith.andi %add3A_369, %and3A_371 : vector<16xi32>
      %broadcast_in_dim3A_373 = vector.shape_cast %and3A_372 : vector<16xi32> to vector<16x1xi32>
      %gather3A_374 = vector.shape_cast %broadcast_in_dim3A_373 : vector<16x1xi32> to vector<16xi32>
      %gather3A_375 = tpu.dynamic_gather %add3A_366[%gather3A_374] in [0] : vector<16xf32>, vector<16xi32> -> vector<16xf32>
      %add3A_376 = arith.addf %add3A_366, %gather3A_375 : vector<16xf32>
      %add3A_377 = arith.constant 2 : i32
      %add3A_378 = vector.broadcast %add3A_377 : i32 to vector<16xi32>
      %add3A_379 = arith.addi %iota3A_356, %add3A_378 : vector<16xi32>
      %and3A_380 = arith.constant 15 : i32
      %and3A_381 = vector.broadcast %and3A_380 : i32 to vector<16xi32>
      %and3A_382 = arith.andi %add3A_379, %and3A_381 : vector<16xi32>
      %broadcast_in_dim3A_383 = vector.shape_cast %and3A_382 : vector<16xi32> to vector<16x1xi32>
      %gather3A_384 = vector.shape_cast %broadcast_in_dim3A_383 : vector<16x1xi32> to vector<16xi32>
      %gather3A_385 = tpu.dynamic_gather %add3A_376[%gather3A_384] in [0] : vector<16xf32>, vector<16xi32> -> vector<16xf32>
      %add3A_386 = arith.addf %add3A_376, %gather3A_385 : vector<16xf32>
      %add3A_387 = arith.constant 1 : i32
      %add3A_388 = vector.broadcast %add3A_387 : i32 to vector<16xi32>
      %add3A_389 = arith.addi %iota3A_356, %add3A_388 : vector<16xi32>
      %and3A_390 = arith.constant 15 : i32
      %and3A_391 = vector.broadcast %and3A_390 : i32 to vector<16xi32>
      %and3A_392 = arith.andi %add3A_389, %and3A_391 : vector<16xi32>
      %broadcast_in_dim3A_393 = vector.shape_cast %and3A_392 : vector<16xi32> to vector<16x1xi32>
      %gather3A_394 = vector.shape_cast %broadcast_in_dim3A_393 : vector<16x1xi32> to vector<16xi32>
      %gather3A_395 = tpu.dynamic_gather %add3A_386[%gather3A_394] in [0] : vector<16xf32>, vector<16xi32> -> vector<16xf32>
      %add3A_396 = arith.addf %add3A_386, %gather3A_395 : vector<16xf32>
      %swap3A_397 = arith.constant 0 : index
      %swap3A_398 = tpu.vector_load %arg13[%swap3A_397] {strides = array<i32>} : memref<16xf32, #tpu.memory_space<vmem>>, vector<16xf32>,
      %swap3A_399 = vector.shape_cast %swap3A_398 : vector<16xf32> to vector<16xf32>
      %swap3A_400 = vector.shape_cast %add3A_396 : vector<16xf32> to vector<16xf32>
      tpu.vector_store %arg13[%swap3A_397], %swap3A_400 {strides = array<i32>} : memref<16xf32, #tpu.memory_space<vmem>>, vector<16xf32>,
      "tpu.region"() ({
        %run_scoped3A = tpu.sem_alloc : memref<!tpu.dma_semaphore, #tpu.memory_space<semaphore_mem>>
        %dma_start3A_401 = arith.constant 0 : i32
        %dma_start3A_402 = tpu.memref_slice %arg13[%dma_start3A_401] : memref<16xf32, #tpu.memory_space<vmem>> -> memref<1xf32, #tpu.memory_space<vmem>>
        %dma_start3A_403 = arith.constant 0 : i32
        %dma_start3A_404 = tpu.memref_slice %arg13[%dma_start3A_403] : memref<16xf32, #tpu.memory_space<vmem>> -> memref<1xf32, #tpu.memory_space<vmem>>
        tpu.enqueue_dma source(%dma_start3A_404 : memref<1xf32, #tpu.memory_space<vmem>>) target(%arg7 : memref<1xf32, #tpu.memory_space<hbm>>) target_semaphore(%run_scoped3A : memref<!tpu.dma_semaphore, #tpu.memory_space<semaphore_mem>>)
        %dma_wait3A_405 = arith.constant 0 : i32
        %dma_wait3A_406 = tpu.memref_slice %arg13[%dma_wait3A_405] : memref<16xf32, #tpu.memory_space<vmem>> -> memref<1xf32, #tpu.memory_space<vmem>>
        %dma_wait3A_407 = arith.constant 0 : i32
        %dma_wait3A_408 = tpu.memref_slice %arg13[%dma_wait3A_407] : memref<16xf32, #tpu.memory_space<vmem>> -> memref<1xf32, #tpu.memory_space<vmem>>
        tpu.wait_dma2 semaphore(%run_scoped3A : memref<!tpu.dma_semaphore, #tpu.memory_space<semaphore_mem>>) src(%dma_wait3A_408 : memref<1xf32, #tpu.memory_space<vmem>>) dst(%arg7 : memref<1xf32, #tpu.memory_space<hbm>>)
        tpu.yield
      }) : () -> ()
    } else {
    }
    return
  }
}

</mosaic_0001>

<sc_bundles>
// kernel: kernel.3.cloned.1.call-start
scs
__scs_entry_jumppad:
0x0: {  	(pc) =	sbr.rel $0x88, $3  }
0x1: {  	(tag) =	ssettag $0x0;
	lr =	simm.s32 $0x1  }
0x2: {  	[smem:$0x3F9C] =	sst lr;
	_ =	strace $0xD0000000  }
0x3: {  	_ = 	snop  }
0x4: {  	_ = 	snop  }
0x5: {  	_ = 	snop  }
0x6: {  	_ = 	snop  }
0x7: {  	_ = 	snop  }
__scs_overlays_trampoline_lowered:
0x8: {  	[smem:$0x3FAB] =	sst s0  }
0x9: {  	[smem:$0x3FAC] =	sst s1  }
0xa: {  	[smem:$0x3FAD] =	sst s2  }
0xb: {  	[smem:$0x3FAE] =	sst s3  }
0xc: {  	[smem:$0x3FAF] =	sst s4  }
0xd: {  	[smem:$0x3FB0] =	sst s5  }
0xe: {  	[smem:$0x3FB1] =	sst s6  }
0xf: {  	[smem:$0x3FB2] =	sst s7  }
0x10: {  	[smem:$0x3FB3] =	sst s8  }
0x11: {  	[smem:$0x3FB4] =	sst s9;
	s0 =	simm.s32 @!p0 $0x0  }
0x12: {  	s1 =	sld [smem:$0x3F9A];
	s0 =	simm.s32 @p0 $0x1  }
0x13: {  	[smem:$0x3FB5] =	sst s0;
	s0 =	simm.s32 @!p1 $0x0  }
0x14: {  	s2 =	sld [smem:$0x3F99];
	s0 =	simm.s32 @p1 $0x1  }
0x15: {  	[smem:$0x3FB6] =	sst s0;
	s0 =	simm.s32 @!p2 $0x0  }
0x16: {  	s3 =	sld [smem:$0x3FDB];
	s0 =	simm.s32 @p2 $0x1  }
0x17: {  	s4 =	simm.s32 $0x1BF5;
	[smem:$0x3FB8] =	sst s0  }
0x18: {  	s0 =	sld [smem:$0x3F9B];
	_ =	swait.ge [sflag:s4], $0x0  }
0x19: {  	s7 =	sld [smem:$0x3F9C]  }
0x1a: {  	s8 =	sadd.s32 $0xFFFFE003, lr  }
0x1b: {  	s9 =	sadd.s32 $0xFFFFFEF7, lr;
	s5 =	simm.s32 $0xFFFFFFFF;
	p2 =	slt.u32 s8, $0xFFFFF086  }
0x1c: {  	p1 =	slt.u32 s9, $0xF7A;
	s5 =	simm.s32 @!p2 $0x0  }
0x1d: {  	s5 =	simm.s32 @p1 $0x1;
	p0 =	seq.s32 s7, s2  }
0x1e: {  	s7 =	smul.u32 @!p0 $0xF7A, s2;
	p2 =	seq.s32 @!p0 s5, $0x0  }
0x1f: {  	s9 =	smul.u32 $0xF7A, s1;
	s8 =	simm.s32 @!p0 $0x1BF5;
	p2 =	por !p2, p0  }
0x20: {  	[sflag:s8] =	ssyncset.s32 @!p0 $0xFFFFF086;
	s6 =	sadd.s32 @!p0 s3, s7;
	s7 =	simm.s32 @!p0 $0x108  }
0x21: {  	s3 =	sadd.s32 s3, s9;
	s6 =	sadd.s32 @!p0 $0x88, s6;
	s7 =	simm.s32 @p2 $0x1082  }
0x22: {  	[simem:s7], [sflag:s8] =	dma.local @!p0 [hbm:s6], $0xF7A  }
0x23: {  	s9 =	sor.u32 $0xD0000000, s2;
	s6 =	simm.s32 $0x108;
	_ =	swait.ge @!p0 [sflag:s8], $0x0  }
0x24: {  	s3 =	sadd.s32 $0x88, s3;
	s6 =	simm.s32 @!p1 $0x1082;
	[sflag:s4] =	ssyncset.s32 $0xFFFFF086  }
0x25: {  	[simem:s6], [sflag:s4] =	dma.local [hbm:s3], $0xF7A  }
0x26: {  	[smem:$0x3F9C] =	sst s1;
	(tag) =	ssettag s2;
	_ =	strace s9  }
0x27: {  	s1 =	sld [smem:$0x3FAC]  }
0x28: {  	s2 =	sld [smem:$0x3FAD]  }
0x29: {  	s4 =	sld [smem:$0x3FAF]  }
0x2a: {  	p0 =	seq.s32 s5, $0x0;
	s5 =	sld [smem:$0x3FB0]  }
0x2b: {  	s6 =	sld [smem:$0x3FB1]  }
0x2c: {  	s7 =	sld [smem:$0x3FB2]  }
0x2d: {  	s3 =	simm.s32 $0x108;
	s8 =	sld [smem:$0x3FB3]  }
0x2e: {  	s3 =	simm.s32 @!p0 $0x1082;
	s9 =	sld [smem:$0x3FB4]  }
0x2f: {  	lr =	sadd.s32 s0, s3;
	s0 =	sld [smem:$0x3FAB]  }
0x30: {  	s3 =	sld [smem:$0x3FAE]  }
0x31: {  	[smem:$0x3FB7] =	sst s10  }
0x32: {  	s10 =	sld [smem:$0x3FB5];
	_ =	sdelay $0x3  }
0x33: {  	p0 =	seq.s32 s10, $0x1;
	s10 =	sld [smem:$0x3FB7];
	_ =	sdelay $0x3  }
0x34: {  	[smem:$0x3FB7] =	sst s10  }
0x35: {  	s10 =	sld [smem:$0x3FB6];
	_ =	sdelay $0x3  }
0x36: {  	p1 =	seq.s32 s10, $0x1;
	s10 =	sld [smem:$0x3FB7];
	_ =	sdelay $0x3  }
0x37: {  	[smem:$0x3FB7] =	sst s10  }
0x38: {  	s10 =	sld [smem:$0x3FB8]  }
0x39: {  	_ = 	snop;
	(pc) =	sbr.ind lr, $3  }
0x3a: {  	_ = 	snop  }
0x3b: {  	_ = 	snop  }
0x3c: {  	p2 =	seq.s32 s10, $0x1;
	s10 =	sld [smem:$0x3FB7]  }
0x3d: {  	_ =	shalt  }
0x3e: {  	_ =	shalt  }
0x3f: {  	_ =	shalt  }
0x40: {  	_ =	shalt  }
0x41: {  	_ =	shalt  }
0x42: {  	_ =	shalt  }
0x43: {  	_ =	shalt  }
0x44: {  	_ =	shalt  }
0x45: {  	_ =	shalt  }
0x46: {  	_ =	shalt  }
0x47: {  	_ =	shalt  }
0x48: {  	_ =	shalt  }
0x49: {  	_ =	shalt  }
0x4a: {  	_ =	shalt  }
0x4b: {  	_ =	shalt  }
0x4c: {  	_ =	shalt  }
0x4d: {  	_ =	shalt  }
0x4e: {  	_ =	shalt  }
0x4f: {  	_ =	shalt  }
0x50: {  	_ =	shalt  }
0x51: {  	_ =	shalt  }
0x52: {  	_ =	shalt  }
0x53: {  	_ =	shalt  }
0x54: {  	_ =	shalt  }
0x55: {  	_ =	shalt  }
0x56: {  	_ =	shalt  }
0x57: {  	_ =	shalt  }
0x58: {  	_ =	shalt  }
0x59: {  	_ =	shalt  }
0x5a: {  	_ =	shalt  }
0x5b: {  	_ =	shalt  }
0x5c: {  	_ =	shalt  }
0x5d: {  	_ =	shalt  }
0x5e: {  	_ =	shalt  }
0x5f: {  	_ =	shalt  }
0x60: {  	_ =	shalt  }
0x61: {  	_ =	shalt  }
0x62: {  	_ =	shalt  }
0x63: {  	_ =	shalt  }
0x64: {  	_ =	shalt  }
0x65: {  	_ =	shalt  }
0x66: {  	_ =	shalt  }
0x67: {  	_ =	shalt  }
0x68: {  	_ =	shalt  }
0x69: {  	_ =	shalt  }
0x6a: {  	_ =	shalt  }
0x6b: {  	_ =	shalt  }
0x6c: {  	_ =	shalt  }
0x6d: {  	_ =	shalt  }
0x6e: {  	_ =	shalt  }
0x6f: {  	_ =	shalt  }
0x70: {  	_ =	shalt  }
0x71: {  	_ =	shalt  }
0x72: {  	_ =	shalt  }
0x73: {  	_ =	shalt  }
0x74: {  	_ =	shalt  }
0x75: {  	_ =	shalt  }
0x76: {  	_ =	shalt  }
0x77: {  	_ =	shalt  }
0x78: {  	_ =	shalt  }
0x79: {  	_ =	shalt  }
0x7a: {  	_ =	shalt  }
0x7b: {  	_ =	shalt  }
0x7c: {  	_ =	shalt  }
0x7d: {  	_ =	shalt  }
0x7e: {  	_ =	shalt  }
0x7f: {  	_ =	shalt  }
0x80: {  	_ =	shalt  }
0x81: {  	_ =	shalt  }
0x82: {  	_ =	shalt  }
0x83: {  	_ =	shalt  }
0x84: {  	_ =	shalt  }
0x85: {  	_ =	shalt  }
0x86: {  	_ =	shalt  }
0x87: {  	_ =	shalt  }
.Lfunc_end0:
.L_simem_size_0:
called_computation_lowered:
.L_overlay_start_0:
0x88: {  	s0 =	sld [smem:$0x3FD9]  }
0x89: {  	s1 =	sld [smem:$0x3FFE];
	_ =	sdelay $0x3  }
0x8a: {  	s0 =	sadd.s32 s1, s0  }
0x8b: {  	[smem:$0x3FC3] =	sst s0  }
0x8c: {  	_ = 	snop  }
0x8d: {  	s16 =	sld [smem:$0x3FC9]  }
0x8e: {  	s2 =	sld [smem:$0x3FC8]  }
0x8f: {  	s3 =	sld [smem:$0x3FC5]  }
0x90: {  	s4 =	sld [smem:$0x3FD0];
	(tm) =	ssettm $0x1  }
0x91: {  	s5 =	sld [smem:$0x3FFB];
	_ =	sdelay $0x3  }
0x92: {  	_ =	strace s5  }
0x93: {  	s5 =	sld [smem:$0x3FFC];
	_ =	sdelay $0x3  }
0x94: {  	_ =	strace s5  }
0x95: {  	s5 =	sld [smem:$0x3FFD];
	_ =	sdelay $0x3  }
0x96: {  	_ =	strace s5  }
0x97: {  	_ =	strace $0x8FFFFFFF  }
0x98: {  	s17 =	sld [smem:$0x3FDB];
	_ =	sdelay $0x1  }
0x99: {  	s6 =	simm.s32 $_scs_section_size  }
0x9a: {  	s7 =	simm.s32 $_size__tile_overlayer_lowered;
	s8 =	simm.s32 $_tile_overlayer_lowered  }
0x9b: {  	s20 =	simm.s32 $0x1BFF;
	s19 =	sshll.u32 s8, $0x1;
	s5 =	sadd.s32 s6, s17  }
0x9c: {  	s9 =	simm.s32 $0x0;
	s18 =	sshll.u32 s7, $0x1;
	s7 =	sadd.s32 s19, s5  }
0x9d: {  	[timem:s9], [sflag:s20] =	dma.local [hbm:s7], s18  }
0x9e: {  	_ =	swait.ge [sflag:s20], s18  }
0x9f: {  	s6 =	ssub.s32 $0x0, s18;
	[sflag:s20] =	ssyncset.done $0x0  }
0xa0: {  	[sflag:s20] =	ssyncadd.s32 s6;
	_ =	sdelay $0x1  }
0xa1: {  	s21 =	simm.s32 $0x1B8B  }
0xa2: {  	_ =	swait.ge [sflag:s21], $0x1  }
0xa3: {  	[sflag:s21] =	ssyncset.done $0x0  }
0xa4: {  	s23 =	simm.s32 $0x1B8E;
	s22 =	sld [smem:$0x3FFE];
	[sflag:s21] =	ssyncadd.s32 $0xFFFFFFFF  }
0xa5: {  	s24 =	simm.s32 $execute0_lowered;
	[smem:$0x3FD2] =	sst s23  }
0xa6: {  	s7 =	sshll.u32 s24, $0x1;
	_ =	strace $0x80000046;
	[dreg:$0x1] =	wrdreg $0xFFFFFFFF  }
0xa7: {  	s25 =	simm.s32 $_size_execute0_lowered;
	s5 =	sadd.s32 s5, s7;
	[dreg:$0x0] =	wrdreg $0x0  }
0xa8: {  	s7 =	sshll.u32 s25, $0x1;
	[dreg:$0x2] =	wrdreg s5  }
0xa9: {  	[dreg:$0x3] =	wrdreg s7  }
0xaa: {  	[dreg:$0x4] =	wrdreg $0xC0  }
0xab: {  	_ =	task [dreg:s9], $0x5FFFF  }
0xac: {  	[dreg:$0x1] =	wrdreg $0xFFFFFFFF  }
0xad: {  	[dreg:$0x0] =	wrdreg $0x60  }
0xae: {  	[dreg:$0x2] =	wrdreg s16  }
0xaf: {  	[dreg:$0x3] =	wrdreg s2  }
0xb0: {  	[dreg:$0x4] =	wrdreg s22  }
0xb1: {  	[dreg:$0x5] =	wrdreg s3  }
0xb2: {  	s0 =	sadd.s32 $0x400, s0;
	[dreg:$0x6] =	wrdreg s4  }
0xb3: {  	[dreg:$0x7] =	wrdreg s0  }
0xb4: {  	[dreg:$0x8] =	wrdreg $0x9  }
0xb5: {  	_ =	task.clear_ibuf [dreg:s9], $0x9FFFF;
	_ =	strace $0x90000046  }
0xb6: {  	s26 =	simm.s32 $0x9;
	_ =	strace $0x80000048  }
0xb7: {  	_ =	swait.ge [sflag:s26], $0x1  }
0xb8: {  	[sflag:s26] =	ssyncadd.s32 $0xFFFFFFFF  }
0xb9: {  	_ =	strace $0x90000048  }
0xba: {  	_ =	sfence  }
0xbb: {  	s28 =	sld [smem:$0x0];
	_ =	sdelay $0x1  }
0xbc: {  	s29 =	srdreg.scid  }
0xbd: {  	s30 =	sshll.u32 s29, $0xD;
	s31 =	sshrl.u32 s29, $0x2  }
0xbe: {  	s1 =	sand.u32 $0x1, s29;
	s2 =	sand.u32 $0x4000, s30;
	s0 =	sadd.s32 s31, s28  }
0xbf: {  	s1 =	sor.u32 s2, s1;
	s0 =	sshll.u32 s0, $0x11  }
0xc0: {  	s0 =	sor.u32 s0, s1  }
0xc1: {  	s0 =	sadd.s32 $0x8F2B, s0  }
0xc2: {  	[sflag:s0] =	ssyncadd.remote.s32 $0x1  }
0xc3: {  	_ =	sfence.sel $0xFFFF  }
0xc4: {  	[dreg:$0x0] =	wrdreg $0xFFFFFFFF;
	(pc) =	sbr.abs _section_cstart, $3  }
0xc5: {  	[dreg:$0x1] =	wrdreg $0xFFFFFFFF  }
0xc6: {  	_ =	task.clear_ibuf [dreg:s9], $0x2FFFF;
	_ =	strace $0x9FFFFFFF  }
0xc7: {  	(tm) =	ssettm $0x7FFFFFFF  }
tec
execute0_lowered:
.L_overlay_start_1:
0x0: {  	(tag) =	ssettag $0x1  }
0x1: {  	s3 =	rddreg [dreg:$0x0]  }
0x2: {  	s4 =	rddreg [dreg:$0x1]  }
0x3: {  	s5 =	rddreg [dreg:$0x2]  }
0x4: {  	s6 =	rddreg [dreg:$0x3]  }
0x5: {  	s1 =	rddreg [dreg:$0x4]  }
0x6: {  	s2 =	rddreg [dreg:$0x5];
	s7 =	simm.s32 $0x0  }
0x7: {  	[smem:$0x7FF] =	sst s7  }
0x8: {  	s0 =	rddreg [dreg:$0x6];
	s8 =	simm.s32 $0x400;
	_ =	strace $0x80000047  }
0x9: {  	[tilespmem:s8], [sflag:$0x1] =	stream.linear.gather [hbm4b:s3+s7], $0x2, $0x38;
	[tilespmem:$0xF00] =	vst v63  }
0xa: {  	s25 =	simm.s32 $0x480;
	s24 =	sadd.s32 $0xA00, s5  }
0xb: {  	[tilespmem:s25], [sflag:$0x1] =	stream.linear.gather [hbm4b:s24+s7], $0x6, $0x38;
	[tilespmem:$0xF00] =	vst v63  }
0xc: {  	s26 =	simm.s32 $0x500;
	s5 =	sadd.s32 $0x800, s5;
	s3 =	stileid.u32  }
0xd: {  	[tilespmem:s26], [sflag:$0x1] =	stream.linear.gather [hbm4b:s5+s7], $0x4, $0x38;
	[tilespmem:$0xF00] =	vst v63  }
0xe: {  	s29 =	simm.s32 $0x580;
	s28 =	sshll.u32 s3, $0x7  }
0xf: {  	[tilespmem:s29], [sflag:$0x1] =	stream.linear.gather [hbm4b:s6+s7], $0x4, $0x38;
	[tilespmem:$0xF00] =	vst v63  }
0x10: {  	s30 =	simm.s32 $0x2;
	s4 =	sadd.s32 s4, s28  }
0x11: {  	[tilespmem:s7], [sflag:$0x2] =	stream.linear.gather [hbm4b:s4+s7], $0x400, $0x38;
	[tilespmem:$0xF00] =	vst v63  }
0x12: {  	_ =	swait.ge [sflag:s30], $0x400  }
0x13: {  	[sflag:s30] =	ssyncset.done $0x0  }
0x14: {  	s31 =	simm.s32 $0x0;
	[sflag:s30] =	ssyncadd.s32 $0xFFFFFC00  }
0x15: {  	v9 =	vld [tilespmem:s31+$0x0]  }
0x16: {  	v7 =	vld [tilespmem:s31+$0x10]  }
0x17: {  	v4 =	vld [tilespmem:s31+$0x20]  }
0x18: {  	v5 =	vld [tilespmem:s31+$0x30]  }
0x19: {  	v11 =	vimm.s32 $0x0;
	v12 =	vimm.s32 $0x0;
	s4 =	simm.s32 $0x100  }
.LBB2_1:
0x1a: {  	s5 =	sshra.s32 s4, $0x2;
	p0 =	sne.s32 s4, $0xF00;
	s4 =	sadd.s32 $0x100, s4;
	v0 =	vmul.u32 v9, v9;
	v1 =	vmov v9  }
.Ltmp0:
0x1b: {  	v9 =	vld [tilespmem:s5+$0x0];
	v2 =	vmul.u32 v7, v7;
	v10 =	vmov v7;
	(pc) =	sbr.rel @p0 .LBB2_1-.Ltmp0, $4  }
0x1c: {  	v1 =	vadd.s32 v11, v1;
	v7 =	vld [tilespmem:s5+$0x10];
	v0 =	vadd.s32 v12, v0;
	v6 =	vmul.u32 v4, v4;
	v8 =	vmovc v4  }
0x1d: {  	v1 =	vadd.s32 v10, v1;
	v4 =	vld [tilespmem:s5+$0x20];
	v0 =	vadd.s32 v2, v0;
	v2 =	vmul.u32 v5, v5;
	v3 =	vmovc v5  }
0x1e: {  	v1 =	vadd.s32 v8, v1;
	v5 =	vld [tilespmem:s5+$0x30];
	v0 =	vadd.s32 v6, v0  }
0x1f: {  	v11 =	vadd.s32 v3, v1;
	v12 =	vadd.s32 v2, v0  }
0x20: {  	s4 =	simm.s32 $0x1  }
0x21: {  	_ =	swait.ge [sflag:s4], $0x2  }
0x22: {  	[sflag:s4] =	ssyncset.done $0x0  }
0x23: {  	[sflag:s4] =	ssyncadd.s32 $0xFFFFFFFE  }
0x24: {  	_ =	swait.ge [sflag:s4], $0x6  }
0x25: {  	[sflag:s4] =	ssyncset.done $0x0  }
0x26: {  	[sflag:s4] =	ssyncadd.s32 $0xFFFFFFFA  }
0x27: {  	_ =	swait.ge [sflag:s4], $0x4  }
0x28: {  	[sflag:s4] =	ssyncset.done $0x0  }
0x29: {  	[sflag:s4] =	ssyncadd.s32 $0xFFFFFFFC  }
0x2a: {  	_ =	swait.ge [sflag:s4], $0x4  }
0x2b: {  	[sflag:s4] =	ssyncset.done $0x0  }
0x2c: {  	[sflag:s4] =	ssyncadd.s32 $0xFFFFFFFC  }
0x2d: {  	v3 =	vld [tilespmem:$0x480]  }
0x2e: {  	v0 =	vld [tilespmem:$0x580];
	_ =	sdelay $0x1  }
0x2f: {  	v1 =	vlaneseq.u32  }
0x30: {  	v2 =	vand.u32 $0x1, v1  }
0x31: {  	vm0 =	vmmov $0x3f;
	vm1 =	vcmask $0x700;
	v6 =	vor.u32 $0x2, v2  }
0x32: {  	v8 =	vimm.f32 $0.0e+00;
	v3 =	vperm.xlane v3, v1;
	v6 =	vperm.xlane v0, v6  }
0x33: {  	v10 =	vimm.s32 $0x76543210;
	vm2 =	vcmask $0xF08;
	vm3 =	vcmask $0x1710  }
0x34: {  	v14 =	vimm.s32 $0x3210FEDC;
	v3 =	vmul.f32 v6, v3;
	v6 =	vimm.s32 $0xFEDCBA98  }
0x35: {  	v15 =	vimm.s32 $0xBA987654;
	v51 =	vimm.s32 $0x98765432;
	v6 =	vunpack.c.l.s4.s8 v6  }
0x36: {  	v13 =	vsel vm1, $0xB9400000, v8;
	v10 =	vunpack.c.l.s4.s8 v10;
	v14 =	vunpack.c.l.s4.s8 v14  }
0x37: {  	v15 =	vunpack.c.l.s4.s8 v15;
	v8 =	vsel vm1, $0x38800000, v8;
	v6 =	vunpack.c.0.s8.s32 v6  }
0x38: {  	v13 =	vsel vm2, $0x39800000, v13;
	v8 =	vsel vm2, $0xB9000000, v8;
	v10 =	vunpack.c.0.s8.s32 v10  }
0x39: {  	v13 =	vsel vm3, $0xB8800000, v13;
	v3 =	vnsel vm0, $0x0, v3;
	v6 =	vand.u32 $0xF, v6  }
0x3a: {  	v8 =	vsel vm3, $0x38800000, v8;
	v13 =	vmul.f32 v13, v3;
	v6 =	vcombine.low v6, v10  }
0x3b: {  	v49 =	vunpack.c.0.s8.s32 v15;
	v50 =	vmul.f32 v8, v3;
	v10 =	vunpack.c.0.s8.s32 v14  }
0x3c: {  	v18 =	vimm.s32 $0xFEDCBA9;
	v19 =	vimm.s32 $0x87654321;
	v16 =	vperm.xlane v13, v6  }
0x3d: {  	v8 =	vcombine.low v49, v10;
	v10 =	vimm.s32 $0x10FEDCBA;
	v17 =	vperm.xlane v50, v6  }
0x3e: {  	v56 =	vmul.u32 v9, v9;
	v14 =	vunpack.c.l.s4.s8 v51;
	v10 =	vunpack.c.l.s4.s8 v10  }
0x3f: {  	v11 =	vadd.s32 v11, v9;
	v13 =	vadd.f32 v13, v16;
	v15 =	vadd.f32 v17, v50  }
0x40: {  	v14 =	vunpack.c.0.s8.s32 v14;
	v52 =	vand.u32 $0xF, v8;
	v10 =	vunpack.c.0.s8.s32 v10  }
0x41: {  	v54 =	vunpack.c.l.s4.s8 v18;
	v53 =	vperm.xlane v13, v52;
	v16 =	vperm.xlane v15, v52  }
0x42: {  	v55 =	vunpack.c.l.s4.s8 v19;
	v60 =	vmul.u32 v7, v7;
	v10 =	vcombine.low v14, v10  }
0x43: {  	v7 =	vadd.s32 v7, v11;
	v13 =	vadd.f32 v13, v53;
	v15 =	vadd.f32 v16, v15  }
0x44: {  	v18 =	vunpack.c.0.s8.s32 v55;
	v14 =	vunpack.c.0.s8.s32 v54;
	v57 =	vand.u32 $0xF, v10  }
0x45: {  	v12 =	vadd.s32 v12, v56;
	v58 =	vperm.xlane v13, v57;
	v59 =	vperm.xlane v15, v57  }
0x46: {  	v61 =	vmul.u32 v4, v4;
	v4 =	vadd.s32 v4, v7;
	v9 =	vcombine.low v18, v14  }
0x47: {  	v12 =	vadd.s32 v60, v12;
	v13 =	vadd.f32 v13, v58;
	v14 =	vadd.f32 v59, v15  }
0x48: {  	v62 =	vmul.u32 v5, v5;
	v4 =	vadd.s32 v5, v4;
	v11 =	vand.u32 $0xF, v9  }
0x49: {  	v7 =	vadd.s32 v61, v12;
	v63 =	vperm.xlane v13, v11;
	v11 =	vperm.xlane v14, v11  }
0x4a: {  	v4 =	vcvt.s32.f32 v4;
	v5 =	vadd.s32 v62, v7  }
0x4b: {  	v5 =	vcvt.s32.f32 v5;
	v7 =	vadd.f32 v13, v63;
	v11 =	vadd.f32 v11, v14;
	_ =	sdelay $0x1  }
0x4c: {  	v4 =	vmul.f32 v4, v7;
	v5 =	vmul.f32 v5, v11;
	_ =	sdelay $0x1  }
0x4d: {  	v4 =	vadd.f32 v5, v4  }
0x4e: {  	s31 =	sshll.u32 s3, $0x4  }
0x4f: {  	s6 =	simm.s32 $0x600;
	s5 =	sadd.s32 s31, s2;
	s4 =	simm.s32 $0x0;
	[tilespmem:$0x600] =	vst v4  }
0x50: {  	[hbm4b:s5+s4] =	stream.linear.scatter [tilespmem:s6], [sflag:$0x2], $0x80, $0x38;
	[tilespmem:$0xF00] =	vst v63  }
0x51: {  	s5 =	simm.s32 $0x2  }
0x52: {  	_ =	swait.ge [sflag:s5], $0x80  }
0x53: {  	[sflag:s5] =	ssyncset.done $0x0  }
0x54: {  	[sflag:s5] =	ssyncadd.s32 $0xFFFFFF80  }
0x55: {  	p0 =	sne.s32 s3, $0x0;
	[bflag:$0x0] =	sbarrier.arrive $0xFFFF  }
0x56: {  	_ =	sfence.sel @p0 $0x180000  }
0x57: {  	[bflag:$0x0] =	sbarrier.arrive @p0 $0xFFFF  }
0x58: {  	_ =	strace @p0 $0x90000047  }
0x59: {  	[bflag:$0x2] =	sbarrier.arrive @p0 $0xFFFF  }
0x5a: {  	_ =	shalt @p0  }
.LBB2_3:
0x5b: {  	s3 =	simm.s32 $0x680  }
0x5c: {  	[tilespmem:s3], [sflag:$0x2] =	stream.linear.gather [hbm4b:s2+s4], $0x800, $0x38;
	[tilespmem:$0xF00] =	vst v63  }
0x5d: {  	_ =	swait.ge [sflag:s5], $0x800  }
0x5e: {  	[sflag:s5] =	ssyncset.done $0x0  }
0x5f: {  	[sflag:s5] =	ssyncadd.s32 $0xFFFFF800  }
0x60: {  	v4 =	vld [tilespmem:$0x680]  }
0x61: {  	v5 =	vld [tilespmem:$0x700];
	_ =	sdelay $0x1  }
0x62: {  	v7 =	vld [tilespmem:$0x780];
	_ =	sdelay $0x1  }
0x63: {  	v11 =	vld [tilespmem:$0x800]  }
0x64: {  	v4 =	vadd.f32 v5, v4  }
0x65: {  	v49 =	vld [tilespmem:$0x880]  }
0x66: {  	v4 =	vadd.f32 v7, v4  }
0x67: {  	v50 =	vld [tilespmem:$0x900]  }
0x68: {  	v4 =	vadd.f32 v11, v4  }
0x69: {  	v51 =	vld [tilespmem:$0x980]  }
0x6a: {  	v4 =	vadd.f32 v49, v4  }
0x6b: {  	v52 =	vld [tilespmem:$0xA00]  }
0x6c: {  	v4 =	vadd.f32 v50, v4  }
0x6d: {  	v53 =	vld [tilespmem:$0xA80]  }
0x6e: {  	v4 =	vadd.f32 v51, v4  }
0x6f: {  	v54 =	vld [tilespmem:$0xB00]  }
0x70: {  	v4 =	vadd.f32 v52, v4  }
0x71: {  	v55 =	vld [tilespmem:$0xB80]  }
0x72: {  	v4 =	vadd.f32 v53, v4  }
0x73: {  	v56 =	vld [tilespmem:$0xC00]  }
0x74: {  	v4 =	vadd.f32 v54, v4  }
0x75: {  	v57 =	vld [tilespmem:$0xC80]  }
0x76: {  	v58 =	vld [tilespmem:$0x400];
	v4 =	vadd.f32 v55, v4  }
0x77: {  	v12 =	vld [tilespmem:$0xD00]  }
0x78: {  	v59 =	vld [tilespmem:$0x500];
	v4 =	vadd.f32 v56, v4  }
0x79: {  	v13 =	vld [tilespmem:$0xD80]  }
0x7a: {  	v4 =	vadd.f32 v57, v4  }
0x7b: {  	v1 =	vshrl.u32 v1, $0x1;
	v60 =	vld [tilespmem:$0xE00];
	v2 =	vperm.xlane v58, v2  }
0x7c: {  	v1 =	vand.u32 $0x1, v1;
	v4 =	vadd.f32 v12, v4  }
0x7d: {  	v0 =	vperm.xlane v0, v1;
	v2 =	vmul.f32 v2, v59  }
0x7e: {  	v61 =	vadd.f32 v13, v4  }
0x7f: {  	v0 =	vmul.f32 v0, v2  }
0x80: {  	vm0 =	vmmov $0xf;
	v1 =	vadd.f32 v60, v61  }
0x81: {  	v62 =	vadd.f32 v3, v3;
	v0 =	vnsel vm0, $0x0, v0  }
0x82: {  	vm15 =	vmmov $0x3;
	v0 =	vadd.f32 v0, v1  }
0x83: {  	v63 =	vnsel vm15, $0x0, v62  }
0x84: {  	v0 =	vadd.f32 v0, v63;
	_ =	sdelay $0x1  }
0x85: {  	v1 =	vperm.xlane v0, v6;
	_ =	sdelay $0x1  }
0x86: {  	v0 =	vadd.f32 v0, v1;
	_ =	sdelay $0x1  }
0x87: {  	v1 =	vperm.xlane v0, v8;
	_ =	sdelay $0x1  }
0x88: {  	v0 =	vadd.f32 v0, v1;
	_ =	sdelay $0x1  }
0x89: {  	v1 =	vperm.xlane v0, v10;
	_ =	sdelay $0x1  }
0x8a: {  	v0 =	vadd.f32 v0, v1;
	_ =	sdelay $0x1  }
0x8b: {  	v1 =	vperm.xlane v0, v9;
	_ =	sdelay $0x1  }
0x8c: {  	v0 =	vadd.f32 v0, v1;
	_ =	sdelay $0x1  }
0x8d: {  	s31 =	simm.s32 $0xE80;
	[tilespmem:$0xE80] =	vst v0  }
0x8e: {  	[hbm4b:s1+s4] =	stream.linear.scatter [tilespmem:s31], [sflag:$0x2], $0x1, $0x38;
	[tilespmem:$0xF00] =	vst v63  }
0x8f: {  	_ =	swait.ge [sflag:s5], $0x1  }
0x90: {  	[sflag:s5] =	ssyncset.done $0x0  }
0x91: {  	[sflag:s5] =	ssyncadd.s32 $0xFFFFFFFF  }
0x92: {  	_ =	sfence.sel $0x180000  }
0x93: {  	[bflag:$0x0] =	sbarrier.arrive $0xFFFF  }
0x94: {  	_ =	strace $0x90000047  }
0x95: {  	s0 =	sadd.s32 $0x100000, s0;
	[bflag:$0x2] =	sbarrier.arrive $0xFFFF  }
0x96: {  	[sflag:s0] =	ssyncadd.tile.s32 $0x1;
	_ =	shalt  }
.Lfunc_end2:
_tile_overlayer_lowered:
.L_overlay_start_2:
0x97: {  	(tag) =	ssettag $0x2  }
0x98: {  	s0 =	rddreg [dreg:$0x0];
	s2 =	stileid.u32  }
0x99: {  	s1 =	rddreg [dreg:$0x1];
	p0 =	sne.s32 s2, $0x0  }
0x9a: {  	s3 =	rddreg [dreg:$0x2];
	[bflag:$0x3] =	sbarrier.arrive $0xFFFF;
	s2 =	simm.s32 @!p0 $0x1C02  }
0x9b: {  	[timem:s3], [sflag:s2] =	dma.local @!p0 [hbm:s0], s1  }
0x9c: {  	s0 =	simm.s32 @!p0 $0x2  }
0x9d: {  	_ =	swait.ge @!p0 [sflag:s0], s1  }
0x9e: {  	s1 =	ssub.s32 @!p0 $0x0, s1;
	[sflag:s0] =	ssyncset.done @!p0 $0x0  }
0x9f: {  	[sflag:s0] =	ssyncadd.s32 @!p0 s1  }
0xa0: {  	[bflag:$0x3] =	sbarrier.arrive $0xFFFF  }
0xa1: {  	_ =	shalt  }

</sc_bundles>
